<compile_context>
chip_gen: v7x
topology: tpu7x:2x2x1
jax: 0.10.2.dev20260603
libtpu: 0.0.44.dev20260713+nightly
codegen_flags: <defaults>
</compile_context>

<pallas_src>
import functools

import jax
import jax.numpy as jnp
from jax import lax
from jax.experimental import pallas as pl
from jax.experimental.pallas import tpu as pltpu
from jax.experimental.pallas import tpu_sc as plsc

B = 1024
V = 100000
NS = 16
PER = B // NS
L = 16


def _body(at_hbm, tgt_hbm, out_hbm, tgt_v, rows_v, part_v, sem):
    sid = lax.axis_index("s")
    base = sid * PER

    pltpu.sync_copy(tgt_hbm.at[pl.ds(base, PER)], tgt_v)

    base_c = pl.multiple_of((sid // 2) * 128, 128)
    pltpu.async_copy(at_hbm.at[tgt_v, pl.ds(base_c, 128)], rows_v, sem).wait()

    lanes = lax.broadcasted_iota(jnp.int32, (L,), 0)
    col0 = (sid % 2) * PER
    acc = None
    for j in range(PER // L):
        d = lanes + j * L
        g = plsc.load_gather(rows_v, [d, d + col0])
        acc = g if acc is None else acc + g
    part_v[0] = acc
    pltpu.sync_copy(part_v, out_hbm.at[pl.ds(sid, 1)])


_partials = functools.partial(
    pl.kernel,
    out_type=jax.ShapeDtypeStruct((NS, L), jnp.float32),
    mesh=plsc.VectorSubcoreMesh(core_axis_name="c", subcore_axis_name="s",
                                num_cores=1),
    compiler_params=pltpu.CompilerParams(needs_layout_passes=False),
    scratch_types=[
        pltpu.VMEM((PER,), jnp.int32),
        pltpu.VMEM((PER, 128), jnp.float32),
        pltpu.VMEM((1, L), jnp.float32),
        pltpu.SemaphoreType.DMA,
    ],
)(_body)


def _reduce_body(part_hbm, out_ref, part_v, sem):
    pltpu.make_async_copy(part_hbm, part_v, sem).start()
    pltpu.make_async_copy(part_hbm, part_v, sem).wait()
    out_ref[0, 0] = jnp.sum(part_v[...]) * (-1.0 / B)


_reduce = pl.pallas_call(
    _reduce_body,
    out_shape=jax.ShapeDtypeStruct((1, 1), jnp.float32),
    in_specs=[pl.BlockSpec(memory_space=pl.ANY)],
    out_specs=pl.BlockSpec(memory_space=pltpu.SMEM),
    scratch_shapes=[pltpu.VMEM((NS, L), jnp.float32),
                    pltpu.SemaphoreType.DMA],
)


def kernel(inputs, targets):
    at = inputs.T
    parts = _partials(at, targets.astype(jnp.int32))
    return jnp.sum(parts) * (-1.0 / B)

# --- scband reference (transcript-rebuilt; emitter-appended) ---
"""Pipeline reference for scband-nllloss-7181185318982 (READ-ONLY COPY).

The authoritative reference and input builder live on the scoring server;
editing this copy changes nothing except your own understanding.
"""

import jax, jax.numpy as jnp
import numpy as np


def setup_inputs(seed: int = 0) -> dict:
    key = jax.random.key(seed)
    k1, k2 = jax.random.split(key)
    inputs = jax.random.normal(k1, (1024, 100000), dtype=jnp.float32)
    targets = jax.random.randint(k2, (1024,), 0, 100000, dtype=jnp.int64 if jax.config.jax_enable_x64 else jnp.int32)
    return {"inputs": inputs, "targets": targets}


def reference(inputs, targets):
    B = targets.shape[0]
    selected_log_probs = inputs[jnp.arange(B), targets]
    loss = -jnp.sum(selected_log_probs) / B
    return loss

if __name__ == "__main__":
    import jax
    _d = setup_inputs()
    print(jax.jit(kernel)(*tuple(_d.values())))

</pallas_src>

<mosaic_0001>
#map = affine_map<(d0, d1) -> (0, 0)>
#map1 = affine_map<(d0, d1) -> (0)>
module attributes {stable_mosaic.version = 14 : i64} {
  func.func @_body(%arg0: i32, %arg1: i32, %arg2: memref<100000x1024xf32, #tpu.memory_space<hbm>>, %arg3: memref<1024xi32, #tpu.memory_space<hbm>>, %arg4: memref<16x16xf32, #tpu.memory_space<hbm>>, %arg5: memref<64xi32, #tpu.memory_space<vmem>>, %arg6: memref<64x128xf32, #tpu.memory_space<vmem>>, %arg7: memref<1x16xf32, #tpu.memory_space<vmem>>, %arg8: memref<!tpu.dma_semaphore, #tpu.memory_space<semaphore_mem>>) attributes {dimension_semantics = [#tpu.dimension_semantics<core_parallel>, #tpu.dimension_semantics<subcore_parallel>], iteration_bounds = array<i64: 1, 16>, scalar_prefetch = 0 : i64, scratch_operands = 4 : i64, tpu.core_type = #tpu.core_type<sc_vector_subcore>, window_params = [{transform_indices = #map}, {transform_indices = #map1}, {transform_indices = #map}]} {
    %mul3A = arith.constant 64 : i32
    %mul3A_0 = arith.muli %arg1, %mul3A : i32
    "tpu.region"() ({
      %run_scoped3A = tpu.sem_alloc : memref<!tpu.dma_semaphore, #tpu.memory_space<semaphore_mem>>
      %dma_start3A_65 = tpu.memref_slice %arg3[%mul3A_0] : memref<1024xi32, #tpu.memory_space<hbm>> -> memref<64xi32, #tpu.memory_space<hbm>>
      %dma_start3A_66 = tpu.memref_slice %arg3[%mul3A_0] : memref<1024xi32, #tpu.memory_space<hbm>> -> memref<64xi32, #tpu.memory_space<hbm>>
      tpu.enqueue_dma source(%dma_start3A_66 : memref<64xi32, #tpu.memory_space<hbm>>) target(%arg5 : memref<64xi32, #tpu.memory_space<vmem>>) target_semaphore(%run_scoped3A : memref<!tpu.dma_semaphore, #tpu.memory_space<semaphore_mem>>)
      %dma_wait3A_67 = tpu.memref_slice %arg3[%mul3A_0] : memref<1024xi32, #tpu.memory_space<hbm>> -> memref<64xi32, #tpu.memory_space<hbm>>
      %dma_wait3A_68 = tpu.memref_slice %arg3[%mul3A_0] : memref<1024xi32, #tpu.memory_space<hbm>> -> memref<64xi32, #tpu.memory_space<hbm>>
      tpu.wait_dma2 semaphore(%run_scoped3A : memref<!tpu.dma_semaphore, #tpu.memory_space<semaphore_mem>>) src(%dma_wait3A_68 : memref<64xi32, #tpu.memory_space<hbm>>) dst(%arg5 : memref<64xi32, #tpu.memory_space<vmem>>)
      tpu.yield
    }) : () -> ()
    %jit3A = arith.constant 2 : i32
    %div3A = arith.divsi %arg1, %jit3A : i32
    %sign3A = arith.constant 0 : i32
    %sign3A_1 = arith.cmpi sgt, %arg1, %sign3A : i32
    %sign3A_2 = arith.extui %sign3A_1 : i1 to i32
    %sign3A_3 = arith.constant 0 : i32
    %sign3A_4 = arith.cmpi slt, %arg1, %sign3A_3 : i32
    %sign3A_5 = arith.extui %sign3A_4 : i1 to i32
    %sign3A_6 = arith.subi %sign3A_2, %sign3A_5 : i32
    %sign3A_7 = arith.constant 0 : i32
    %sign3A_8 = arith.cmpi sgt, %jit3A, %sign3A_7 : i32
    %sign3A_9 = arith.extui %sign3A_8 : i1 to i32
    %sign3A_10 = arith.constant 0 : i32
    %sign3A_11 = arith.cmpi slt, %jit3A, %sign3A_10 : i32
    %sign3A_12 = arith.extui %sign3A_11 : i1 to i32
    %sign3A_13 = arith.subi %sign3A_9, %sign3A_12 : i32
    %ne3A = arith.cmpi ne, %sign3A_6, %sign3A_13 : i32
    %rem3A = arith.remsi %arg1, %jit3A : i32
    %ne3A_14 = arith.constant 0 : i32
    %ne3A_15 = arith.cmpi ne, %rem3A, %ne3A_14 : i32
    %and3A = arith.andi %ne3A, %ne3A_15 : i1
    %sub3A = arith.constant 1 : i32
    %sub3A_16 = arith.subi %div3A, %sub3A : i32
    %select_n3A = arith.select %and3A, %sub3A_16, %div3A : i32
    %mul3A_17 = arith.constant 128 : i32
    %mul3A_18 = arith.muli %select_n3A, %mul3A_17 : i32
    %multiple_of3A = tpu.assume_multiple %mul3A_18, 128 : i32
    %dma_start3A = arith.constant 0 : i32
    %dma_start3A_19 = tpu.memref_slice %arg2[%dma_start3A, %multiple_of3A] : memref<100000x1024xf32, #tpu.memory_space<hbm>> -> memref<100000x128xf32, #tpu.memory_space<hbm>>
    tpu.enqueue_indirect_dma source(%dma_start3A_19 : memref<100000x128xf32, #tpu.memory_space<hbm>>) target(%arg6 : memref<64x128xf32, #tpu.memory_space<vmem>>) offsets(%arg5 : memref<64xi32, #tpu.memory_space<vmem>>) semaphore(%arg8 : memref<!tpu.dma_semaphore, #tpu.memory_space<semaphore_mem>>)
    %dma_wait3A = arith.constant 0 : i32
    %dma_wait3A_20 = tpu.memref_slice %arg2[%dma_wait3A, %multiple_of3A] : memref<100000x1024xf32, #tpu.memory_space<hbm>> -> memref<100000x128xf32, #tpu.memory_space<hbm>>
    tpu.wait_indirect_dma semaphore(%arg8 : memref<!tpu.dma_semaphore, #tpu.memory_space<semaphore_mem>>) src(%dma_wait3A_20 : memref<100000x128xf32, #tpu.memory_space<hbm>>) dst(%arg6 : memref<64x128xf32, #tpu.memory_space<vmem>>)
    %iota3A = tpu.iota {dimensions = array<i32: 0>} : vector<16xi32>
    %jit3A_21 = arith.constant 2 : i32
    %eq3A = arith.constant 0 : i32
    %eq3A_22 = arith.cmpi eq, %jit3A_21, %eq3A : i32
    %jit3A_23 = arith.constant 1 : i32
    %select_n3A_24 = arith.select %eq3A_22, %jit3A_23, %jit3A_21 : i32
    %rem3A_25 = arith.remsi %arg1, %select_n3A_24 : i32
    %ne3A_26 = arith.constant 0 : i32
    %ne3A_27 = arith.cmpi ne, %rem3A_25, %ne3A_26 : i32
    %lt3A = arith.constant 0 : i32
    %lt3A_28 = arith.cmpi slt, %rem3A_25, %lt3A : i32
    %lt3A_29 = arith.constant 0 : i32
    %lt3A_30 = arith.cmpi slt, %select_n3A_24, %lt3A_29 : i32
    %ne3A_31 = arith.xori %lt3A_28, %lt3A_30 : i1
    %and3A_32 = arith.andi %ne3A_31, %ne3A_27 : i1
    %add3A = arith.addi %rem3A_25, %select_n3A_24 : i32
    %select_n3A_33 = arith.select %and3A_32, %add3A, %rem3A_25 : i32
    %mul3A_34 = arith.constant 64 : i32
    %mul3A_35 = arith.muli %select_n3A_33, %mul3A_34 : i32
    %add3A_36 = arith.constant 0 : i32
    %add3A_37 = vector.broadcast %add3A_36 : i32 to vector<16xi32>
    %add3A_38 = arith.addi %iota3A, %add3A_37 : vector<16xi32>
    %add3A_39 = vector.broadcast %mul3A_35 : i32 to vector<16xi32>
    %add3A_40 = arith.addi %add3A_38, %add3A_39 : vector<16xi32>
    %gather3A = tpu.vector_load_idx %arg6[%add3A_38, %add3A_40] : memref<64x128xf32, #tpu.memory_space<vmem>>[vector<16xi32>, vector<16xi32>], vector<16xf32>,
    %add3A_41 = arith.constant 16 : i32
    %add3A_42 = vector.broadcast %add3A_41 : i32 to vector<16xi32>
    %add3A_43 = arith.addi %iota3A, %add3A_42 : vector<16xi32>
    %add3A_44 = vector.broadcast %mul3A_35 : i32 to vector<16xi32>
    %add3A_45 = arith.addi %add3A_43, %add3A_44 : vector<16xi32>
    %gather3A_46 = tpu.vector_load_idx %arg6[%add3A_43, %add3A_45] : memref<64x128xf32, #tpu.memory_space<vmem>>[vector<16xi32>, vector<16xi32>], vector<16xf32>,
    %add3A_47 = arith.addf %gather3A, %gather3A_46 : vector<16xf32>
    %add3A_48 = arith.constant 32 : i32
    %add3A_49 = vector.broadcast %add3A_48 : i32 to vector<16xi32>
    %add3A_50 = arith.addi %iota3A, %add3A_49 : vector<16xi32>
    %add3A_51 = vector.broadcast %mul3A_35 : i32 to vector<16xi32>
    %add3A_52 = arith.addi %add3A_50, %add3A_51 : vector<16xi32>
    %gather3A_53 = tpu.vector_load_idx %arg6[%add3A_50, %add3A_52] : memref<64x128xf32, #tpu.memory_space<vmem>>[vector<16xi32>, vector<16xi32>], vector<16xf32>,
    %add3A_54 = arith.addf %add3A_47, %gather3A_53 : vector<16xf32>
    %add3A_55 = arith.constant 48 : i32
    %add3A_56 = vector.broadcast %add3A_55 : i32 to vector<16xi32>
    %add3A_57 = arith.addi %iota3A, %add3A_56 : vector<16xi32>
    %add3A_58 = vector.broadcast %mul3A_35 : i32 to vector<16xi32>
    %add3A_59 = arith.addi %add3A_57, %add3A_58 : vector<16xi32>
    %gather3A_60 = tpu.vector_load_idx %arg6[%add3A_57, %add3A_59] : memref<64x128xf32, #tpu.memory_space<vmem>>[vector<16xi32>, vector<16xi32>], vector<16xf32>,
    %add3A_61 = arith.addf %add3A_54, %gather3A_60 : vector<16xf32>
    %swap3A = arith.constant 0 : i32
    %swap3A_62 = arith.index_cast %swap3A : i32 to index
    %swap3A_63 = arith.constant 0 : index
    %swap3A_64 = tpu.vector_load %arg7[%swap3A_62, %swap3A_63] {strides = array<i32>} : memref<1x16xf32, #tpu.memory_space<vmem>>, vector<16xf32>,
    tpu.vector_store %arg7[%swap3A_62, %swap3A_63], %add3A_61 {strides = array<i32>} : memref<1x16xf32, #tpu.memory_space<vmem>>, vector<16xf32>,
    "tpu.region"() ({
      %run_scoped3A = tpu.sem_alloc : memref<!tpu.dma_semaphore, #tpu.memory_space<semaphore_mem>>
      %dma_start3A_65 = arith.constant 0 : i32
      %dma_start3A_66 = tpu.memref_slice %arg4[%arg1, %dma_start3A_65] : memref<16x16xf32, #tpu.memory_space<hbm>> -> memref<1x16xf32, #tpu.memory_space<hbm>>
      %dma_start3A_67 = arith.constant 0 : i32
      %dma_start3A_68 = tpu.memref_slice %arg4[%arg1, %dma_start3A_67] : memref<16x16xf32, #tpu.memory_space<hbm>> -> memref<1x16xf32, #tpu.memory_space<hbm>>
      tpu.enqueue_dma source(%arg7 : memref<1x16xf32, #tpu.memory_space<vmem>>) target(%dma_start3A_68 : memref<1x16xf32, #tpu.memory_space<hbm>>) target_semaphore(%run_scoped3A : memref<!tpu.dma_semaphore, #tpu.memory_space<semaphore_mem>>)
      %dma_wait3A_69 = arith.constant 0 : i32
      %dma_wait3A_70 = tpu.memref_slice %arg4[%arg1, %dma_wait3A_69] : memref<16x16xf32, #tpu.memory_space<hbm>> -> memref<1x16xf32, #tpu.memory_space<hbm>>
      %dma_wait3A_71 = arith.constant 0 : i32
      %dma_wait3A_72 = tpu.memref_slice %arg4[%arg1, %dma_wait3A_71] : memref<16x16xf32, #tpu.memory_space<hbm>> -> memref<1x16xf32, #tpu.memory_space<hbm>>
      tpu.wait_dma2 semaphore(%run_scoped3A : memref<!tpu.dma_semaphore, #tpu.memory_space<semaphore_mem>>) src(%arg7 : memref<1x16xf32, #tpu.memory_space<vmem>>) dst(%dma_wait3A_72 : memref<1x16xf32, #tpu.memory_space<hbm>>)
      tpu.yield
    }) : () -> ()
    return
  }
}

</mosaic_0001>

<sc_bundles>
// kernel: kernel.3.cloned.1.call-start
scs
__scs_entry_jumppad:
0x0: {  	(pc) =	sbr.rel $0x88, $3  }
0x1: {  	(tag) =	ssettag $0x0;
	lr =	simm.s32 $0x1  }
0x2: {  	[smem:$0x3F9F] =	sst lr;
	_ =	strace $0xD0000000  }
0x3: {  	_ = 	snop  }
0x4: {  	_ = 	snop  }
0x5: {  	_ = 	snop  }
0x6: {  	_ = 	snop  }
0x7: {  	_ = 	snop  }
__scs_overlays_trampoline_lowered:
0x8: {  	[smem:$0x3FAE] =	sst s0  }
0x9: {  	[smem:$0x3FAF] =	sst s1  }
0xa: {  	[smem:$0x3FB0] =	sst s2  }
0xb: {  	[smem:$0x3FB1] =	sst s3  }
0xc: {  	[smem:$0x3FB2] =	sst s4  }
0xd: {  	[smem:$0x3FB3] =	sst s5  }
0xe: {  	[smem:$0x3FB4] =	sst s6  }
0xf: {  	[smem:$0x3FB5] =	sst s7  }
0x10: {  	[smem:$0x3FB6] =	sst s8  }
0x11: {  	[smem:$0x3FB7] =	sst s9;
	s0 =	simm.s32 @!p0 $0x0  }
0x12: {  	s1 =	sld [smem:$0x3F9D];
	s0 =	simm.s32 @p0 $0x1  }
0x13: {  	[smem:$0x3FB8] =	sst s0;
	s0 =	simm.s32 @!p1 $0x0  }
0x14: {  	s2 =	sld [smem:$0x3F9C];
	s0 =	simm.s32 @p1 $0x1  }
0x15: {  	[smem:$0x3FB9] =	sst s0;
	s0 =	simm.s32 @!p2 $0x0  }
0x16: {  	s3 =	sld [smem:$0x3FDB];
	s0 =	simm.s32 @p2 $0x1  }
0x17: {  	s4 =	simm.s32 $0x1BF5;
	[smem:$0x3FBB] =	sst s0  }
0x18: {  	s0 =	sld [smem:$0x3F9E];
	_ =	swait.ge [sflag:s4], $0x0  }
0x19: {  	s7 =	sld [smem:$0x3F9F]  }
0x1a: {  	s8 =	sadd.s32 $0xFFFFE003, lr  }
0x1b: {  	s9 =	sadd.s32 $0xFFFFFEF7, lr;
	s5 =	simm.s32 $0xFFFFFFFF;
	p2 =	slt.u32 s8, $0xFFFFF086  }
0x1c: {  	p1 =	slt.u32 s9, $0xF7A;
	s5 =	simm.s32 @!p2 $0x0  }
0x1d: {  	s5 =	simm.s32 @p1 $0x1;
	p0 =	seq.s32 s7, s2  }
0x1e: {  	s7 =	smul.u32 @!p0 $0xF7A, s2;
	p2 =	seq.s32 @!p0 s5, $0x0  }
0x1f: {  	s9 =	smul.u32 $0xF7A, s1;
	s8 =	simm.s32 @!p0 $0x1BF5;
	p2 =	por !p2, p0  }
0x20: {  	[sflag:s8] =	ssyncset.s32 @!p0 $0xFFFFF086;
	s6 =	sadd.s32 @!p0 s3, s7;
	s7 =	simm.s32 @!p0 $0x108  }
0x21: {  	s3 =	sadd.s32 s3, s9;
	s6 =	sadd.s32 @!p0 $0x88, s6;
	s7 =	simm.s32 @p2 $0x1082  }
0x22: {  	[simem:s7], [sflag:s8] =	dma.local @!p0 [hbm:s6], $0xF7A  }
0x23: {  	s9 =	sor.u32 $0xD0000000, s2;
	s6 =	simm.s32 $0x108;
	_ =	swait.ge @!p0 [sflag:s8], $0x0  }
0x24: {  	s3 =	sadd.s32 $0x88, s3;
	s6 =	simm.s32 @!p1 $0x1082;
	[sflag:s4] =	ssyncset.s32 $0xFFFFF086  }
0x25: {  	[simem:s6], [sflag:s4] =	dma.local [hbm:s3], $0xF7A  }
0x26: {  	[smem:$0x3F9F] =	sst s1;
	(tag) =	ssettag s2;
	_ =	strace s9  }
0x27: {  	s1 =	sld [smem:$0x3FAF]  }
0x28: {  	s2 =	sld [smem:$0x3FB0]  }
0x29: {  	s4 =	sld [smem:$0x3FB2]  }
0x2a: {  	p0 =	seq.s32 s5, $0x0;
	s5 =	sld [smem:$0x3FB3]  }
0x2b: {  	s6 =	sld [smem:$0x3FB4]  }
0x2c: {  	s7 =	sld [smem:$0x3FB5]  }
0x2d: {  	s3 =	simm.s32 $0x108;
	s8 =	sld [smem:$0x3FB6]  }
0x2e: {  	s3 =	simm.s32 @!p0 $0x1082;
	s9 =	sld [smem:$0x3FB7]  }
0x2f: {  	lr =	sadd.s32 s0, s3;
	s0 =	sld [smem:$0x3FAE]  }
0x30: {  	s3 =	sld [smem:$0x3FB1]  }
0x31: {  	[smem:$0x3FBA] =	sst s10  }
0x32: {  	s10 =	sld [smem:$0x3FB8];
	_ =	sdelay $0x3  }
0x33: {  	p0 =	seq.s32 s10, $0x1;
	s10 =	sld [smem:$0x3FBA];
	_ =	sdelay $0x3  }
0x34: {  	[smem:$0x3FBA] =	sst s10  }
0x35: {  	s10 =	sld [smem:$0x3FB9];
	_ =	sdelay $0x3  }
0x36: {  	p1 =	seq.s32 s10, $0x1;
	s10 =	sld [smem:$0x3FBA];
	_ =	sdelay $0x3  }
0x37: {  	[smem:$0x3FBA] =	sst s10  }
0x38: {  	s10 =	sld [smem:$0x3FBB]  }
0x39: {  	_ = 	snop;
	(pc) =	sbr.ind lr, $3  }
0x3a: {  	_ = 	snop  }
0x3b: {  	_ = 	snop  }
0x3c: {  	p2 =	seq.s32 s10, $0x1;
	s10 =	sld [smem:$0x3FBA]  }
0x3d: {  	_ =	shalt  }
0x3e: {  	_ =	shalt  }
0x3f: {  	_ =	shalt  }
0x40: {  	_ =	shalt  }
0x41: {  	_ =	shalt  }
0x42: {  	_ =	shalt  }
0x43: {  	_ =	shalt  }
0x44: {  	_ =	shalt  }
0x45: {  	_ =	shalt  }
0x46: {  	_ =	shalt  }
0x47: {  	_ =	shalt  }
0x48: {  	_ =	shalt  }
0x49: {  	_ =	shalt  }
0x4a: {  	_ =	shalt  }
0x4b: {  	_ =	shalt  }
0x4c: {  	_ =	shalt  }
0x4d: {  	_ =	shalt  }
0x4e: {  	_ =	shalt  }
0x4f: {  	_ =	shalt  }
0x50: {  	_ =	shalt  }
0x51: {  	_ =	shalt  }
0x52: {  	_ =	shalt  }
0x53: {  	_ =	shalt  }
0x54: {  	_ =	shalt  }
0x55: {  	_ =	shalt  }
0x56: {  	_ =	shalt  }
0x57: {  	_ =	shalt  }
0x58: {  	_ =	shalt  }
0x59: {  	_ =	shalt  }
0x5a: {  	_ =	shalt  }
0x5b: {  	_ =	shalt  }
0x5c: {  	_ =	shalt  }
0x5d: {  	_ =	shalt  }
0x5e: {  	_ =	shalt  }
0x5f: {  	_ =	shalt  }
0x60: {  	_ =	shalt  }
0x61: {  	_ =	shalt  }
0x62: {  	_ =	shalt  }
0x63: {  	_ =	shalt  }
0x64: {  	_ =	shalt  }
0x65: {  	_ =	shalt  }
0x66: {  	_ =	shalt  }
0x67: {  	_ =	shalt  }
0x68: {  	_ =	shalt  }
0x69: {  	_ =	shalt  }
0x6a: {  	_ =	shalt  }
0x6b: {  	_ =	shalt  }
0x6c: {  	_ =	shalt  }
0x6d: {  	_ =	shalt  }
0x6e: {  	_ =	shalt  }
0x6f: {  	_ =	shalt  }
0x70: {  	_ =	shalt  }
0x71: {  	_ =	shalt  }
0x72: {  	_ =	shalt  }
0x73: {  	_ =	shalt  }
0x74: {  	_ =	shalt  }
0x75: {  	_ =	shalt  }
0x76: {  	_ =	shalt  }
0x77: {  	_ =	shalt  }
0x78: {  	_ =	shalt  }
0x79: {  	_ =	shalt  }
0x7a: {  	_ =	shalt  }
0x7b: {  	_ =	shalt  }
0x7c: {  	_ =	shalt  }
0x7d: {  	_ =	shalt  }
0x7e: {  	_ =	shalt  }
0x7f: {  	_ =	shalt  }
0x80: {  	_ =	shalt  }
0x81: {  	_ =	shalt  }
0x82: {  	_ =	shalt  }
0x83: {  	_ =	shalt  }
0x84: {  	_ =	shalt  }
0x85: {  	_ =	shalt  }
0x86: {  	_ =	shalt  }
0x87: {  	_ =	shalt  }
.Lfunc_end0:
.L_simem_size_0:
called_computation_lowered:
.L_overlay_start_0:
0x88: {  	s0 =	sld [smem:$0x3FD9]  }
0x89: {  	s1 =	sld [smem:$0x3FFE];
	_ =	sdelay $0x3  }
0x8a: {  	s0 =	sadd.s32 s1, s0  }
0x8b: {  	[smem:$0x3FC6] =	sst s0  }
0x8c: {  	_ = 	snop  }
0x8d: {  	s0 =	sld [smem:$0x3FC9]  }
0x8e: {  	s16 =	sld [smem:$0x3FC8];
	(tm) =	ssettm $0x1  }
0x8f: {  	s2 =	sld [smem:$0x3FFB];
	_ =	sdelay $0x3  }
0x90: {  	_ =	strace s2  }
0x91: {  	s2 =	sld [smem:$0x3FFC];
	_ =	sdelay $0x3  }
0x92: {  	_ =	strace s2  }
0x93: {  	s2 =	sld [smem:$0x3FFD];
	_ =	sdelay $0x3  }
0x94: {  	_ =	strace s2  }
0x95: {  	_ =	strace $0x8FFFFFFF  }
0x96: {  	s17 =	sld [smem:$0x3FDB];
	_ =	sdelay $0x1  }
0x97: {  	s3 =	simm.s32 $_scs_section_size  }
0x98: {  	s4 =	simm.s32 $_size__tile_overlayer_lowered;
	s5 =	simm.s32 $_tile_overlayer_lowered  }
0x99: {  	s20 =	simm.s32 $0x1BFF;
	s19 =	sshll.u32 s5, $0x1;
	s2 =	sadd.s32 s3, s17  }
0x9a: {  	s6 =	simm.s32 $0x0;
	s18 =	sshll.u32 s4, $0x1;
	s4 =	sadd.s32 s19, s2  }
0x9b: {  	[timem:s6], [sflag:s20] =	dma.local [hbm:s4], s18  }
0x9c: {  	_ =	swait.ge [sflag:s20], s18  }
0x9d: {  	s3 =	ssub.s32 $0x0, s18;
	[sflag:s20] =	ssyncset.done $0x0  }
0x9e: {  	[sflag:s20] =	ssyncadd.s32 s3;
	_ =	sdelay $0x1  }
0x9f: {  	s21 =	simm.s32 $0x1B8B  }
0xa0: {  	_ =	swait.ge [sflag:s21], $0x1  }
0xa1: {  	[sflag:s21] =	ssyncset.done $0x0  }
0xa2: {  	s23 =	simm.s32 $0x1B8E;
	s22 =	sld [smem:$0x3FFE];
	[sflag:s21] =	ssyncadd.s32 $0xFFFFFFFF  }
0xa3: {  	s24 =	simm.s32 $execute0_lowered;
	[smem:$0x3FD2] =	sst s23  }
0xa4: {  	s4 =	sshll.u32 s24, $0x1;
	_ =	strace $0x80000046;
	[dreg:$0x1] =	wrdreg $0xFFFFFFFF  }
0xa5: {  	s25 =	simm.s32 $_size_execute0_lowered;
	s2 =	sadd.s32 s2, s4;
	[dreg:$0x0] =	wrdreg $0x0  }
0xa6: {  	s4 =	sshll.u32 s25, $0x1;
	[dreg:$0x2] =	wrdreg s2  }
0xa7: {  	[dreg:$0x3] =	wrdreg s4  }
0xa8: {  	[dreg:$0x4] =	wrdreg $0xC0  }
0xa9: {  	_ =	task [dreg:s6], $0x5FFFF  }
0xaa: {  	[dreg:$0x1] =	wrdreg $0xFFFFFFFF  }
0xab: {  	[dreg:$0x0] =	wrdreg $0x60  }
0xac: {  	[dreg:$0x2] =	wrdreg s0  }
0xad: {  	[dreg:$0x3] =	wrdreg s16  }
0xae: {  	[dreg:$0x4] =	wrdreg s22  }
0xaf: {  	[dreg:$0x5] =	wrdreg $0x9  }
0xb0: {  	_ =	task.clear_ibuf [dreg:s6], $0x6FFFF;
	_ =	strace $0x90000046  }
0xb1: {  	s26 =	simm.s32 $0x9;
	_ =	strace $0x80000048  }
0xb2: {  	_ =	swait.ge [sflag:s26], $0x1  }
0xb3: {  	[sflag:s26] =	ssyncadd.s32 $0xFFFFFFFF  }
0xb4: {  	_ =	strace $0x90000048  }
0xb5: {  	_ =	sfence  }
0xb6: {  	s28 =	sld [smem:$0x0];
	_ =	sdelay $0x1  }
0xb7: {  	s29 =	srdreg.scid  }
0xb8: {  	s30 =	sshll.u32 s29, $0xD;
	s31 =	sshrl.u32 s29, $0x2  }
0xb9: {  	s1 =	sand.u32 $0x1, s29;
	s2 =	sand.u32 $0x4000, s30;
	s0 =	sadd.s32 s31, s28  }
0xba: {  	s1 =	sor.u32 s2, s1;
	s0 =	sshll.u32 s0, $0x11  }
0xbb: {  	s0 =	sor.u32 s0, s1  }
0xbc: {  	s0 =	sadd.s32 $0x8F2B, s0  }
0xbd: {  	[sflag:s0] =	ssyncadd.remote.s32 $0x1  }
0xbe: {  	_ =	sfence.sel $0xFFFF  }
0xbf: {  	[dreg:$0x0] =	wrdreg $0xFFFFFFFF;
	(pc) =	sbr.abs _section_cstart, $3  }
0xc0: {  	[dreg:$0x1] =	wrdreg $0xFFFFFFFF  }
0xc1: {  	_ =	task.clear_ibuf [dreg:s6], $0x2FFFF;
	_ =	strace $0x9FFFFFFF  }
0xc2: {  	(tm) =	ssettm $0x7FFFFFFF  }
0xc3: {  	_ =	shalt  }
tec
execute0_lowered:
.L_overlay_start_1:
0x0: {  	(tag) =	ssettag $0x1  }
0x1: {  	s5 =	rddreg [dreg:$0x0]  }
0x2: {  	s4 =	rddreg [dreg:$0x1]  }
0x3: {  	s3 =	rddreg [dreg:$0x2];
	s2 =	simm.s32 $0x0;
	s1 =	stileid.u32  }
0x4: {  	[smem:$0x7FF] =	sst s2;
	s6 =	sshll.u32 s1, $0x3  }
0x5: {  	s0 =	rddreg [dreg:$0x3];
	_ =	strace $0x80000047;
	s4 =	sadd.s32 s4, s6  }
0x6: {  	[tilespmem:s2], [sflag:$0x2] =	stream.linear.gather [hbm4b:s4+s2], $0x40, $0x38;
	[tilespmem:$0x2100] =	vst v63  }
0x7: {  	s4 =	simm.s32 $0x2  }
0x8: {  	_ =	swait.ge [sflag:s4], $0x40  }
0x9: {  	[sflag:s4] =	ssyncset.done $0x0  }
0xa: {  	[sflag:s4] =	ssyncadd.s32 $0xFFFFFFC0  }
0xb: {  	v0 =	vld [tilespmem:$0x0];
	_ =	sdelay $0x4  }
0xc: {  	v1 =	vshll.u32 v0, $0x3  }
0xd: {  	v2 =	vand.u32 $0x7, v0;
	v1 =	vand.u32 $0xFFFFFFC0, v1  }
0xe: {  	v0 =	vlaneseq.u32;
	v18 =	vor.u32 v2, v1;
	v2 =	vimm.s32 $0x0  }
0xf: {  	v1 =	vmul.u32 $0x8, v0;
	v4 =	vperm.xlane v18, v2  }
0x10: {  	v3 =	vimm.s32 $0x1  }
0x11: {  	v5 =	vperm.xlane v18, v3;
	v6 =	vadd.s32 v1, v4  }
0x12: {  	v4 =	vimm.s32 $0x2  }
0x13: {  	s6 =	sshll.u32 s1, $0x6;
	v7 =	vadd.s32 v1, v5;
	v8 =	vperm.xlane v18, v4  }
0x14: {  	s7 =	sand.u32 $0x380, s6;
	v5 =	vimm.s32 $0x3  }
0x15: {  	vm0 =	vmmov $0x1;
	s7 =	sadd.s32 s5, s7;
	s5 =	simm.s32 $0x80;
	v9 =	vperm.xlane v18, v5;
	v8 =	vadd.s32 v1, v8  }
0x16: {  	[tilespmem:s5], [sflag:$0x1] =	stream.indirect_vreg.gather [hbm4b:s7+s2], $0x80, v6, vm0, $0xb8;
	v6 =	vimm.s32 $0x4;
	[tilespmem:$0x2100] =	vst v63  }
0x17: {  	s8 =	simm.s32 $0x100;
	v10 =	vadd.s32 v1, v9;
	v60 =	vperm.xlane v18, v6  }
0x18: {  	[tilespmem:s8], [sflag:$0x1] =	stream.indirect_vreg.gather [hbm4b:s7+s2], $0x80, v7, vm0, $0xb8;
	v7 =	vimm.s32 $0x5;
	[tilespmem:$0x2100] =	vst v63  }
0x19: {  	s10 =	simm.s32 $0x180;
	v11 =	vadd.s32 v1, v60;
	v12 =	vperm.xlane v18, v7  }
0x1a: {  	v9 =	vimm.s32 $0x6;
	[tilespmem:s10], [sflag:$0x1] =	stream.indirect_vreg.gather [hbm4b:s7+s2], $0x80, v8, vm0, $0xb8;
	[tilespmem:$0x2100] =	vst v63  }
0x1b: {  	s11 =	simm.s32 $0x200;
	v13 =	vperm.xlane v18, v9;
	v12 =	vadd.s32 v1, v12  }
0x1c: {  	v8 =	vimm.s32 $0x7;
	[tilespmem:s11], [sflag:$0x1] =	stream.indirect_vreg.gather [hbm4b:s7+s2], $0x80, v10, vm0, $0xb8;
	[tilespmem:$0x2100] =	vst v63  }
0x1d: {  	s12 =	simm.s32 $0x280;
	v13 =	vadd.s32 v1, v13;
	v14 =	vperm.xlane v18, v8  }
0x1e: {  	v10 =	vimm.s32 $0x8;
	[tilespmem:s12], [sflag:$0x1] =	stream.indirect_vreg.gather [hbm4b:s7+s2], $0x80, v11, vm0, $0xb8;
	[tilespmem:$0x2100] =	vst v63  }
0x1f: {  	s13 =	simm.s32 $0x300;
	v14 =	vadd.s32 v1, v14;
	v15 =	vperm.xlane v18, v10  }
0x20: {  	v11 =	vimm.s32 $0x9;
	[tilespmem:s13], [sflag:$0x1] =	stream.indirect_vreg.gather [hbm4b:s7+s2], $0x80, v12, vm0, $0xb8;
	[tilespmem:$0x2100] =	vst v63  }
0x21: {  	s14 =	simm.s32 $0x380;
	v15 =	vadd.s32 v1, v15;
	v16 =	vperm.xlane v18, v11  }
0x22: {  	v12 =	vimm.s32 $0xA;
	[tilespmem:s14], [sflag:$0x1] =	stream.indirect_vreg.gather [hbm4b:s7+s2], $0x80, v13, vm0, $0xb8;
	[tilespmem:$0x2100] =	vst v63  }
0x23: {  	s15 =	simm.s32 $0x400;
	v16 =	vadd.s32 v1, v16;
	v17 =	vperm.xlane v18, v12  }
0x24: {  	v13 =	vimm.s32 $0xB;
	[tilespmem:s15], [sflag:$0x1] =	stream.indirect_vreg.gather [hbm4b:s7+s2], $0x80, v14, vm0, $0xb8;
	[tilespmem:$0x2100] =	vst v63  }
0x25: {  	s16 =	simm.s32 $0x480;
	v17 =	vadd.s32 v1, v17;
	v19 =	vperm.xlane v18, v13  }
0x26: {  	v14 =	vimm.s32 $0xC;
	[tilespmem:s16], [sflag:$0x1] =	stream.indirect_vreg.gather [hbm4b:s7+s2], $0x80, v15, vm0, $0xb8;
	[tilespmem:$0x2100] =	vst v63  }
0x27: {  	s17 =	simm.s32 $0x500;
	v19 =	vadd.s32 v1, v19;
	v20 =	vperm.xlane v18, v14  }
0x28: {  	v15 =	vimm.s32 $0xD;
	[tilespmem:s17], [sflag:$0x1] =	stream.indirect_vreg.gather [hbm4b:s7+s2], $0x80, v16, vm0, $0xb8;
	[tilespmem:$0x2100] =	vst v63  }
0x29: {  	s18 =	simm.s32 $0x580;
	v20 =	vadd.s32 v1, v20;
	v21 =	vperm.xlane v18, v15  }
0x2a: {  	v16 =	vimm.s32 $0xE;
	[tilespmem:s18], [sflag:$0x1] =	stream.indirect_vreg.gather [hbm4b:s7+s2], $0x80, v17, vm0, $0xb8;
	[tilespmem:$0x2100] =	vst v63  }
0x2b: {  	s19 =	simm.s32 $0x600;
	v21 =	vadd.s32 v1, v21;
	v22 =	vperm.xlane v18, v16  }
0x2c: {  	v17 =	vimm.s32 $0xF;
	[tilespmem:s19], [sflag:$0x1] =	stream.indirect_vreg.gather [hbm4b:s7+s2], $0x80, v19, vm0, $0xb8;
	[tilespmem:$0x2100] =	vst v63  }
0x2d: {  	s20 =	simm.s32 $0x680;
	v61 =	vadd.s32 v1, v22;
	v18 =	vperm.xlane v18, v17  }
0x2e: {  	[tilespmem:s20], [sflag:$0x1] =	stream.indirect_vreg.gather [hbm4b:s7+s2], $0x80, v20, vm0, $0xb8;
	[tilespmem:$0x2100] =	vst v63  }
0x2f: {  	s21 =	simm.s32 $0x700;
	v18 =	vadd.s32 v1, v18  }
0x30: {  	[tilespmem:s21], [sflag:$0x1] =	stream.indirect_vreg.gather [hbm4b:s7+s2], $0x80, v21, vm0, $0xb8;
	[tilespmem:$0x2100] =	vst v63  }
0x31: {  	s22 =	simm.s32 $0x780  }
0x32: {  	[tilespmem:s22], [sflag:$0x1] =	stream.indirect_vreg.gather [hbm4b:s7+s2], $0x80, v61, vm0, $0xb8;
	[tilespmem:$0x2100] =	vst v63  }
0x33: {  	s23 =	simm.s32 $0x800  }
0x34: {  	[tilespmem:s23], [sflag:$0x1] =	stream.indirect_vreg.gather [hbm4b:s7+s2], $0x80, v18, vm0, $0xb8;
	[tilespmem:$0x2100] =	vst v63  }
0x35: {  	v18 =	vld [tilespmem:$0x10];
	_ =	sdelay $0x4  }
0x36: {  	v62 =	vshll.u32 v18, $0x3  }
0x37: {  	v18 =	vand.u32 $0x7, v18;
	v19 =	vand.u32 $0xFFFFFFC0, v62  }
0x38: {  	v18 =	vor.u32 v18, v19  }
0x39: {  	v19 =	vperm.xlane v18, v2;
	_ =	sdelay $0x1  }
0x3a: {  	v63 =	vperm.xlane v18, v3;
	v19 =	vadd.s32 v1, v19;
	_ =	sdelay $0x1  }
0x3b: {  	v24 =	vperm.xlane v18, v4;
	v20 =	vadd.s32 v1, v63;
	_ =	sdelay $0x1  }
0x3c: {  	s24 =	simm.s32 $0x880;
	v25 =	vperm.xlane v18, v5;
	v21 =	vadd.s32 v1, v24  }
0x3d: {  	[tilespmem:s24], [sflag:$0x1] =	stream.indirect_vreg.gather [hbm4b:s7+s2], $0x80, v19, vm0, $0xb8;
	[tilespmem:$0x2100] =	vst v63  }
0x3e: {  	s25 =	simm.s32 $0x900;
	v27 =	vperm.xlane v18, v6;
	v26 =	vadd.s32 v1, v25  }
0x3f: {  	[tilespmem:s25], [sflag:$0x1] =	stream.indirect_vreg.gather [hbm4b:s7+s2], $0x80, v20, vm0, $0xb8;
	[tilespmem:$0x2100] =	vst v63  }
0x40: {  	s26 =	simm.s32 $0x980;
	v29 =	vperm.xlane v18, v7;
	v28 =	vadd.s32 v1, v27  }
0x41: {  	[tilespmem:s26], [sflag:$0x1] =	stream.indirect_vreg.gather [hbm4b:s7+s2], $0x80, v21, vm0, $0xb8;
	[tilespmem:$0x2100] =	vst v63  }
0x42: {  	s28 =	simm.s32 $0xA00;
	v31 =	vperm.xlane v18, v9;
	v30 =	vadd.s32 v1, v29  }
0x43: {  	[tilespmem:s28], [sflag:$0x1] =	stream.indirect_vreg.gather [hbm4b:s7+s2], $0x80, v26, vm0, $0xb8;
	[tilespmem:$0x2100] =	vst v63  }
0x44: {  	s29 =	simm.s32 $0xA80;
	v33 =	vperm.xlane v18, v8;
	v32 =	vadd.s32 v1, v31  }
0x45: {  	[tilespmem:s29], [sflag:$0x1] =	stream.indirect_vreg.gather [hbm4b:s7+s2], $0x80, v28, vm0, $0xb8;
	[tilespmem:$0x2100] =	vst v63  }
0x46: {  	s30 =	simm.s32 $0xB00;
	v35 =	vperm.xlane v18, v10;
	v34 =	vadd.s32 v1, v33  }
0x47: {  	[tilespmem:s30], [sflag:$0x1] =	stream.indirect_vreg.gather [hbm4b:s7+s2], $0x80, v30, vm0, $0xb8;
	[tilespmem:$0x2100] =	vst v63  }
0x48: {  	s31 =	simm.s32 $0xB80;
	v37 =	vperm.xlane v18, v11;
	v36 =	vadd.s32 v1, v35  }
0x49: {  	[tilespmem:s31], [sflag:$0x1] =	stream.indirect_vreg.gather [hbm4b:s7+s2], $0x80, v32, vm0, $0xb8;
	[tilespmem:$0x2100] =	vst v63  }
0x4a: {  	s9 =	simm.s32 $0xC00;
	v39 =	vperm.xlane v18, v12;
	v38 =	vadd.s32 v1, v37  }
0x4b: {  	[tilespmem:s9], [sflag:$0x1] =	stream.indirect_vreg.gather [hbm4b:s7+s2], $0x80, v34, vm0, $0xb8;
	[tilespmem:$0x2100] =	vst v63  }
0x4c: {  	s10 =	simm.s32 $0xC80;
	v41 =	vperm.xlane v18, v13;
	v40 =	vadd.s32 v1, v39  }
0x4d: {  	[tilespmem:s10], [sflag:$0x1] =	stream.indirect_vreg.gather [hbm4b:s7+s2], $0x80, v36, vm0, $0xb8;
	[tilespmem:$0x2100] =	vst v63  }
0x4e: {  	s11 =	simm.s32 $0xD00;
	v43 =	vperm.xlane v18, v14;
	v42 =	vadd.s32 v1, v41  }
0x4f: {  	[tilespmem:s11], [sflag:$0x1] =	stream.indirect_vreg.gather [hbm4b:s7+s2], $0x80, v38, vm0, $0xb8;
	[tilespmem:$0x2100] =	vst v63  }
0x50: {  	s12 =	simm.s32 $0xD80;
	v45 =	vperm.xlane v18, v15;
	v44 =	vadd.s32 v1, v43  }
0x51: {  	[tilespmem:s12], [sflag:$0x1] =	stream.indirect_vreg.gather [hbm4b:s7+s2], $0x80, v40, vm0, $0xb8;
	[tilespmem:$0x2100] =	vst v63  }
0x52: {  	s13 =	simm.s32 $0xE00;
	v47 =	vperm.xlane v18, v16;
	v46 =	vadd.s32 v1, v45  }
0x53: {  	[tilespmem:s13], [sflag:$0x1] =	stream.indirect_vreg.gather [hbm4b:s7+s2], $0x80, v42, vm0, $0xb8;
	[tilespmem:$0x2100] =	vst v63  }
0x54: {  	s14 =	simm.s32 $0xE80;
	v18 =	vperm.xlane v18, v17;
	v48 =	vadd.s32 v1, v47  }
0x55: {  	[tilespmem:s14], [sflag:$0x1] =	stream.indirect_vreg.gather [hbm4b:s7+s2], $0x80, v44, vm0, $0xb8;
	[tilespmem:$0x2100] =	vst v63  }
0x56: {  	s15 =	simm.s32 $0xF00;
	v18 =	vadd.s32 v1, v18  }
0x57: {  	[tilespmem:s15], [sflag:$0x1] =	stream.indirect_vreg.gather [hbm4b:s7+s2], $0x80, v46, vm0, $0xb8;
	[tilespmem:$0x2100] =	vst v63  }
0x58: {  	s16 =	simm.s32 $0xF80  }
0x59: {  	[tilespmem:s16], [sflag:$0x1] =	stream.indirect_vreg.gather [hbm4b:s7+s2], $0x80, v48, vm0, $0xb8;
	[tilespmem:$0x2100] =	vst v63  }
0x5a: {  	s17 =	simm.s32 $0x1000  }
0x5b: {  	[tilespmem:s17], [sflag:$0x1] =	stream.indirect_vreg.gather [hbm4b:s7+s2], $0x80, v18, vm0, $0xb8;
	[tilespmem:$0x2100] =	vst v63  }
0x5c: {  	v18 =	vld [tilespmem:$0x20];
	_ =	sdelay $0x4  }
0x5d: {  	v49 =	vshll.u32 v18, $0x3  }
0x5e: {  	v18 =	vand.u32 $0x7, v18;
	v19 =	vand.u32 $0xFFFFFFC0, v49  }
0x5f: {  	v18 =	vor.u32 v18, v19  }
0x60: {  	v19 =	vperm.xlane v18, v2;
	_ =	sdelay $0x1  }
0x61: {  	v50 =	vperm.xlane v18, v3;
	v19 =	vadd.s32 v1, v19;
	_ =	sdelay $0x1  }
0x62: {  	v51 =	vperm.xlane v18, v4;
	v20 =	vadd.s32 v1, v50;
	_ =	sdelay $0x1  }
0x63: {  	s18 =	simm.s32 $0x1080;
	v52 =	vperm.xlane v18, v5;
	v21 =	vadd.s32 v1, v51  }
0x64: {  	[tilespmem:s18], [sflag:$0x1] =	stream.indirect_vreg.gather [hbm4b:s7+s2], $0x80, v19, vm0, $0xb8;
	[tilespmem:$0x2100] =	vst v63  }
0x65: {  	s19 =	simm.s32 $0x1100;
	v54 =	vperm.xlane v18, v6;
	v53 =	vadd.s32 v1, v52  }
0x66: {  	[tilespmem:s19], [sflag:$0x1] =	stream.indirect_vreg.gather [hbm4b:s7+s2], $0x80, v20, vm0, $0xb8;
	[tilespmem:$0x2100] =	vst v63  }
0x67: {  	s20 =	simm.s32 $0x1180;
	v56 =	vperm.xlane v18, v7;
	v55 =	vadd.s32 v1, v54  }
0x68: {  	[tilespmem:s20], [sflag:$0x1] =	stream.indirect_vreg.gather [hbm4b:s7+s2], $0x80, v21, vm0, $0xb8;
	[tilespmem:$0x2100] =	vst v63  }
0x69: {  	s21 =	simm.s32 $0x1200;
	v58 =	vperm.xlane v18, v9;
	v57 =	vadd.s32 v1, v56  }
0x6a: {  	[tilespmem:s21], [sflag:$0x1] =	stream.indirect_vreg.gather [hbm4b:s7+s2], $0x80, v53, vm0, $0xb8;
	[tilespmem:$0x2100] =	vst v63  }
0x6b: {  	s22 =	simm.s32 $0x1280;
	v60 =	vperm.xlane v18, v8;
	v59 =	vadd.s32 v1, v58  }
0x6c: {  	[tilespmem:s22], [sflag:$0x1] =	stream.indirect_vreg.gather [hbm4b:s7+s2], $0x80, v55, vm0, $0xb8;
	[tilespmem:$0x2100] =	vst v63  }
0x6d: {  	s23 =	simm.s32 $0x1300;
	v62 =	vperm.xlane v18, v10;
	v61 =	vadd.s32 v1, v60  }
0x6e: {  	[tilespmem:s23], [sflag:$0x1] =	stream.indirect_vreg.gather [hbm4b:s7+s2], $0x80, v57, vm0, $0xb8;
	[tilespmem:$0x2100] =	vst v63  }
0x6f: {  	s24 =	simm.s32 $0x1380;
	v24 =	vperm.xlane v18, v11;
	v63 =	vadd.s32 v1, v62  }
0x70: {  	[tilespmem:s24], [sflag:$0x1] =	stream.indirect_vreg.gather [hbm4b:s7+s2], $0x80, v59, vm0, $0xb8;
	[tilespmem:$0x2100] =	vst v63  }
0x71: {  	s25 =	simm.s32 $0x1400;
	v26 =	vperm.xlane v18, v12;
	v25 =	vadd.s32 v1, v24  }
0x72: {  	[tilespmem:s25], [sflag:$0x1] =	stream.indirect_vreg.gather [hbm4b:s7+s2], $0x80, v61, vm0, $0xb8;
	[tilespmem:$0x2100] =	vst v63  }
0x73: {  	s26 =	simm.s32 $0x1480;
	v28 =	vperm.xlane v18, v13;
	v27 =	vadd.s32 v1, v26  }
0x74: {  	[tilespmem:s26], [sflag:$0x1] =	stream.indirect_vreg.gather [hbm4b:s7+s2], $0x80, v63, vm0, $0xb8;
	[tilespmem:$0x2100] =	vst v63  }
0x75: {  	s28 =	simm.s32 $0x1500;
	v30 =	vperm.xlane v18, v14;
	v29 =	vadd.s32 v1, v28  }
0x76: {  	[tilespmem:s28], [sflag:$0x1] =	stream.indirect_vreg.gather [hbm4b:s7+s2], $0x80, v25, vm0, $0xb8;
	[tilespmem:$0x2100] =	vst v63  }
0x77: {  	s29 =	simm.s32 $0x1580;
	v32 =	vperm.xlane v18, v15;
	v31 =	vadd.s32 v1, v30  }
0x78: {  	[tilespmem:s29], [sflag:$0x1] =	stream.indirect_vreg.gather [hbm4b:s7+s2], $0x80, v27, vm0, $0xb8;
	[tilespmem:$0x2100] =	vst v63  }
0x79: {  	s30 =	simm.s32 $0x1600;
	v34 =	vperm.xlane v18, v16;
	v33 =	vadd.s32 v1, v32  }
0x7a: {  	[tilespmem:s30], [sflag:$0x1] =	stream.indirect_vreg.gather [hbm4b:s7+s2], $0x80, v29, vm0, $0xb8;
	[tilespmem:$0x2100] =	vst v63  }
0x7b: {  	s31 =	simm.s32 $0x1680;
	v18 =	vperm.xlane v18, v17;
	v35 =	vadd.s32 v1, v34  }
0x7c: {  	[tilespmem:s31], [sflag:$0x1] =	stream.indirect_vreg.gather [hbm4b:s7+s2], $0x80, v31, vm0, $0xb8;
	[tilespmem:$0x2100] =	vst v63  }
0x7d: {  	s9 =	simm.s32 $0x1700;
	v18 =	vadd.s32 v1, v18  }
0x7e: {  	[tilespmem:s9], [sflag:$0x1] =	stream.indirect_vreg.gather [hbm4b:s7+s2], $0x80, v33, vm0, $0xb8;
	[tilespmem:$0x2100] =	vst v63  }
0x7f: {  	s10 =	simm.s32 $0x1780  }
0x80: {  	[tilespmem:s10], [sflag:$0x1] =	stream.indirect_vreg.gather [hbm4b:s7+s2], $0x80, v35, vm0, $0xb8;
	[tilespmem:$0x2100] =	vst v63  }
0x81: {  	s11 =	simm.s32 $0x1800  }
0x82: {  	[tilespmem:s11], [sflag:$0x1] =	stream.indirect_vreg.gather [hbm4b:s7+s2], $0x80, v18, vm0, $0xb8;
	[tilespmem:$0x2100] =	vst v63  }
0x83: {  	v18 =	vld [tilespmem:$0x30];
	_ =	sdelay $0x4  }
0x84: {  	v36 =	vshll.u32 v18, $0x3  }
0x85: {  	v18 =	vand.u32 $0x7, v18;
	v19 =	vand.u32 $0xFFFFFFC0, v36  }
0x86: {  	v18 =	vor.u32 v18, v19  }
0x87: {  	v2 =	vperm.xlane v18, v2;
	_ =	sdelay $0x1  }
0x88: {  	v3 =	vperm.xlane v18, v3;
	v2 =	vadd.s32 v1, v2;
	_ =	sdelay $0x1  }
0x89: {  	v4 =	vperm.xlane v18, v4;
	v3 =	vadd.s32 v1, v3;
	_ =	sdelay $0x1  }
0x8a: {  	s12 =	simm.s32 $0x1880;
	v5 =	vperm.xlane v18, v5;
	v4 =	vadd.s32 v1, v4  }
0x8b: {  	[tilespmem:s12], [sflag:$0x1] =	stream.indirect_vreg.gather [hbm4b:s7+s2], $0x80, v2, vm0, $0xb8;
	[tilespmem:$0x2100] =	vst v63  }
0x8c: {  	s13 =	simm.s32 $0x1900;
	v38 =	vperm.xlane v18, v6;
	v37 =	vadd.s32 v1, v5  }
0x8d: {  	[tilespmem:s13], [sflag:$0x1] =	stream.indirect_vreg.gather [hbm4b:s7+s2], $0x80, v3, vm0, $0xb8;
	[tilespmem:$0x2100] =	vst v63  }
0x8e: {  	s14 =	simm.s32 $0x1980;
	v40 =	vperm.xlane v18, v7;
	v39 =	vadd.s32 v1, v38  }
0x8f: {  	[tilespmem:s14], [sflag:$0x1] =	stream.indirect_vreg.gather [hbm4b:s7+s2], $0x80, v4, vm0, $0xb8;
	[tilespmem:$0x2100] =	vst v63  }
0x90: {  	s15 =	simm.s32 $0x1A00;
	v42 =	vperm.xlane v18, v9;
	v41 =	vadd.s32 v1, v40  }
0x91: {  	[tilespmem:s15], [sflag:$0x1] =	stream.indirect_vreg.gather [hbm4b:s7+s2], $0x80, v37, vm0, $0xb8;
	[tilespmem:$0x2100] =	vst v63  }
0x92: {  	s16 =	simm.s32 $0x1A80;
	v44 =	vperm.xlane v18, v8;
	v43 =	vadd.s32 v1, v42  }
0x93: {  	[tilespmem:s16], [sflag:$0x1] =	stream.indirect_vreg.gather [hbm4b:s7+s2], $0x80, v39, vm0, $0xb8;
	[tilespmem:$0x2100] =	vst v63  }
0x94: {  	s17 =	simm.s32 $0x1B00;
	v46 =	vperm.xlane v18, v10;
	v45 =	vadd.s32 v1, v44  }
0x95: {  	[tilespmem:s17], [sflag:$0x1] =	stream.indirect_vreg.gather [hbm4b:s7+s2], $0x80, v41, vm0, $0xb8;
	[tilespmem:$0x2100] =	vst v63  }
0x96: {  	s18 =	simm.s32 $0x1B80;
	v48 =	vperm.xlane v18, v11;
	v47 =	vadd.s32 v1, v46  }
0x97: {  	[tilespmem:s18], [sflag:$0x1] =	stream.indirect_vreg.gather [hbm4b:s7+s2], $0x80, v43, vm0, $0xb8;
	[tilespmem:$0x2100] =	vst v63  }
0x98: {  	s19 =	simm.s32 $0x1C00;
	v50 =	vperm.xlane v18, v12;
	v49 =	vadd.s32 v1, v48  }
0x99: {  	[tilespmem:s19], [sflag:$0x1] =	stream.indirect_vreg.gather [hbm4b:s7+s2], $0x80, v45, vm0, $0xb8;
	[tilespmem:$0x2100] =	vst v63  }
0x9a: {  	s20 =	simm.s32 $0x1C80;
	v52 =	vperm.xlane v18, v13;
	v51 =	vadd.s32 v1, v50  }
0x9b: {  	[tilespmem:s20], [sflag:$0x1] =	stream.indirect_vreg.gather [hbm4b:s7+s2], $0x80, v47, vm0, $0xb8;
	[tilespmem:$0x2100] =	vst v63  }
0x9c: {  	s21 =	simm.s32 $0x1D00;
	v54 =	vperm.xlane v18, v14;
	v53 =	vadd.s32 v1, v52  }
0x9d: {  	[tilespmem:s21], [sflag:$0x1] =	stream.indirect_vreg.gather [hbm4b:s7+s2], $0x80, v49, vm0, $0xb8;
	[tilespmem:$0x2100] =	vst v63  }
0x9e: {  	s22 =	simm.s32 $0x1D80;
	v56 =	vperm.xlane v18, v15;
	v55 =	vadd.s32 v1, v54  }
0x9f: {  	[tilespmem:s22], [sflag:$0x1] =	stream.indirect_vreg.gather [hbm4b:s7+s2], $0x80, v51, vm0, $0xb8;
	[tilespmem:$0x2100] =	vst v63  }
0xa0: {  	s23 =	simm.s32 $0x1E00;
	v58 =	vperm.xlane v18, v16;
	v57 =	vadd.s32 v1, v56  }
0xa1: {  	[tilespmem:s23], [sflag:$0x1] =	stream.indirect_vreg.gather [hbm4b:s7+s2], $0x80, v53, vm0, $0xb8;
	[tilespmem:$0x2100] =	vst v63  }
0xa2: {  	s24 =	simm.s32 $0x1E80;
	v60 =	vperm.xlane v18, v17;
	v59 =	vadd.s32 v1, v58  }
0xa3: {  	[tilespmem:s24], [sflag:$0x1] =	stream.indirect_vreg.gather [hbm4b:s7+s2], $0x80, v55, vm0, $0xb8;
	[tilespmem:$0x2100] =	vst v63  }
0xa4: {  	s25 =	simm.s32 $0x1F00;
	v1 =	vadd.s32 v1, v60  }
0xa5: {  	[tilespmem:s25], [sflag:$0x1] =	stream.indirect_vreg.gather [hbm4b:s7+s2], $0x80, v57, vm0, $0xb8;
	[tilespmem:$0x2100] =	vst v63  }
0xa6: {  	s6 =	sand.u32 $0x40, s6;
	v0 =	vmul.u32 $0x81, v0;
	s26 =	simm.s32 $0x1F80  }
0xa7: {  	[tilespmem:s26], [sflag:$0x1] =	stream.indirect_vreg.gather [hbm4b:s7+s2], $0x80, v59, vm0, $0xb8;
	[tilespmem:$0x2100] =	vst v63  }
0xa8: {  	v62 =	vadd.s32 $0x810, v0;
	v61 =	vor.u32 s6, v0;
	s28 =	simm.s32 $0x2000;
	s29 =	simm.s32 $0x1  }
0xa9: {  	v2 =	vor.u32 s6, v62;
	[tilespmem:s28], [sflag:$0x1] =	stream.indirect_vreg.gather [hbm4b:s7+s2], $0x80, v1, vm0, $0xb8;
	[tilespmem:$0x2100] =	vst v63  }
0xaa: {  	v63 =	vadd.s32 $0x1020, v0;
	_ =	swait.ge [sflag:s29], $0x2000  }
0xab: {  	v3 =	vor.u32 s6, v63;
	[sflag:s29] =	ssyncset.done $0x0  }
0xac: {  	v0 =	vadd.s32 $0x1830, v0;
	[sflag:s29] =	ssyncadd.s32 $0xFFFFE000  }
0xad: {  	v0 =	vor.u32 s6, v0;
	v1 =	vld.idx.msk [tilespmem:v61+s5+$0x0], $0xffff  }
0xae: {  	v2 =	vld.idx.msk [tilespmem:v2+s5+$0x0], $0xffff;
	_ =	sdelay $0x1  }
0xaf: {  	v3 =	vld.idx.msk [tilespmem:v3+s5+$0x0], $0xffff;
	_ =	sdelay $0x1  }
0xb0: {  	v0 =	vld.idx.msk [tilespmem:v0+s5+$0x0], $0xffff  }
0xb1: {  	v1 =	vadd.f32 v2, v1;
	_ =	sdelay $0x1  }
0xb2: {  	v1 =	vadd.f32 v3, v1;
	_ =	sdelay $0x1  }
0xb3: {  	v0 =	vadd.f32 v0, v1  }
0xb4: {  	s30 =	sshll.u32 s1, $0x4  }
0xb5: {  	s3 =	sadd.s32 s3, s30;
	s31 =	simm.s32 $0x2080;
	[tilespmem:$0x2080] =	vst v0  }
0xb6: {  	[hbm4b:s3+s2] =	stream.linear.scatter [tilespmem:s31], [sflag:$0x2], $0x80, $0x38;
	[tilespmem:$0x2100] =	vst v63  }
0xb7: {  	_ =	swait.ge [sflag:s4], $0x80  }
0xb8: {  	[sflag:s4] =	ssyncset.done $0x0  }
0xb9: {  	[sflag:s4] =	ssyncadd.s32 $0xFFFFFF80  }
0xba: {  	_ =	sfence.sel $0x180000  }
0xbb: {  	[bflag:$0x0] =	sbarrier.arrive $0xFFFF  }
0xbc: {  	p0 =	sne.s32 s1, $0x0;
	_ =	strace $0x90000047  }
0xbd: {  	s0 =	sadd.s32 @!p0 $0x100000, s0;
	[bflag:$0x2] =	sbarrier.arrive $0xFFFF  }
0xbe: {  	[sflag:s0] =	ssyncadd.tile.s32 @!p0 $0x1;
	_ =	shalt  }
.Lfunc_end2:
_tile_overlayer_lowered:
.L_overlay_start_2:
0xbf: {  	(tag) =	ssettag $0x2  }
0xc0: {  	s0 =	rddreg [dreg:$0x0];
	s2 =	stileid.u32  }
0xc1: {  	s1 =	rddreg [dreg:$0x1];
	p0 =	sne.s32 s2, $0x0  }
0xc2: {  	s3 =	rddreg [dreg:$0x2];
	[bflag:$0x3] =	sbarrier.arrive $0xFFFF;
	s2 =	simm.s32 @!p0 $0x1C02  }
0xc3: {  	[timem:s3], [sflag:s2] =	dma.local @!p0 [hbm:s0], s1  }
0xc4: {  	s0 =	simm.s32 @!p0 $0x2  }
0xc5: {  	_ =	swait.ge @!p0 [sflag:s0], s1  }
0xc6: {  	s1 =	ssub.s32 @!p0 $0x0, s1;
	[sflag:s0] =	ssyncset.done @!p0 $0x0  }
0xc7: {  	[sflag:s0] =	ssyncadd.s32 @!p0 s1  }
0xc8: {  	[bflag:$0x3] =	sbarrier.arrive $0xFFFF  }
0xc9: {  	_ =	shalt  }

</sc_bundles>
